<compile_context>
chip_gen: v7x
topology: tpu7x:2x2x1
jax: 0.10.2.dev20260603
libtpu: 0.0.44.dev20260713+nightly
codegen_flags: <defaults>
</compile_context>

<pallas_src>
import functools

import jax
import jax.numpy as jnp
from jax import lax
from jax.experimental import pallas as pl
from jax.experimental.pallas import tpu as pltpu
from jax.experimental.pallas import tpu_sc as plsc

_CHUNK_ROWS = 256


def kernel(seq_len, table):
    del seq_len
    rows, dim = table.shape
    info = plsc.get_sparse_core_info()
    rows_per_core = rows // info.num_cores
    nchunk = rows_per_core // _CHUNK_ROWS

    mesh = plsc.ScalarSubcoreMesh(axis_name="c", num_cores=info.num_cores)

    @functools.partial(
        pl.kernel,
        mesh=mesh,
        out_type=jax.ShapeDtypeStruct((rows, dim), table.dtype),
        scratch_types=[
            pltpu.VMEM_SHARED((_CHUNK_ROWS, dim), jnp.float32),
            pltpu.VMEM_SHARED((_CHUNK_ROWS, dim), jnp.float32),
            pltpu.SemaphoreType.DMA,
            pltpu.SemaphoreType.DMA,
            pltpu.SemaphoreType.DMA,
            pltpu.SemaphoreType.DMA,
        ],
    )
    def scs_copy(table_hbm, out_hbm, buf0, buf1, li0, li1, so0, so1):
        base = lax.axis_index("c") * rows_per_core
        bufs = (buf0, buf1)
        load_sems = (li0, li1)
        store_sems = (so0, so1)

        def start_load(c, b):
            return pltpu.async_copy(
                table_hbm.at[pl.ds(base + c * _CHUNK_ROWS, _CHUNK_ROWS)],
                bufs[b],
                load_sems[b],
            )

        def start_store(c, b):
            return pltpu.async_copy(
                bufs[b],
                out_hbm.at[pl.ds(base + c * _CHUNK_ROWS, _CHUNK_ROWS)],
                store_sems[b],
            )

        loads = [None, None]
        stores = [None, None]
        loads[0] = start_load(0, 0)
        for c in range(nchunk):
            b = c & 1
            nb = (c + 1) & 1
            if c + 1 < nchunk:
                if stores[nb] is not None:
                    stores[nb].wait()
                loads[nb] = start_load(c + 1, nb)
            loads[b].wait()
            stores[b] = start_store(c, b)
        for b in range(2):
            if stores[b] is not None:
                stores[b].wait()

    out = scs_copy(table)
    return out[None]

# --- scband reference (transcript-rebuilt; emitter-appended) ---
"""Pipeline reference for scband-positional-embedding-35888746726139 (READ-ONLY COPY).

The authoritative reference and input builder live on the scoring server;
editing this copy changes nothing except your own understanding.
"""

import jax, jax.numpy as jnp
import numpy as np

MAX_LENGTH = 8192
EMBED_DIM = 768
SEQ_LEN = 8192

def setup_inputs(seed: int = 0) -> dict:
    key = jax.random.key(seed)
    table = jax.random.normal(key, (MAX_LENGTH, EMBED_DIM), dtype=jnp.float32)
    return {"seq_len": SEQ_LEN, "table": table}

def reference(seq_len, table):
    positions = jnp.arange(table.shape[0]) + (seq_len - seq_len)
    emb = jnp.take(table, positions, axis=0)
    return emb[None, :, :]

if __name__ == "__main__":
    import jax
    _d = setup_inputs()
    print(jax.jit(kernel)(*tuple(_d.values())))

</pallas_src>

<mosaic_0001>
#map = affine_map<(d0) -> (0, 0)>
module attributes {stable_mosaic.version = 14 : i64} {
  func.func @scs_copy(%arg0: i32, %arg1: memref<8192x768xf32, #tpu.memory_space<hbm>>, %arg2: memref<8192x768xf32, #tpu.memory_space<hbm>>, %arg3: memref<256x768xf32, #tpu.memory_space<vmem_shared>>, %arg4: memref<256x768xf32, #tpu.memory_space<vmem_shared>>, %arg5: memref<!tpu.dma_semaphore, #tpu.memory_space<semaphore_mem>>, %arg6: memref<!tpu.dma_semaphore, #tpu.memory_space<semaphore_mem>>, %arg7: memref<!tpu.dma_semaphore, #tpu.memory_space<semaphore_mem>>, %arg8: memref<!tpu.dma_semaphore, #tpu.memory_space<semaphore_mem>>) attributes {dimension_semantics = [#tpu.dimension_semantics<core_parallel>], iteration_bounds = array<i64: 2>, scalar_prefetch = 0 : i64, scratch_operands = 6 : i64, tpu.core_type = #tpu.core_type<sc_scalar_subcore>, window_params = [{transform_indices = #map}, {transform_indices = #map}]} {
    %mul3A = arith.constant 4096 : i32
    %mul3A_0 = arith.muli %arg0, %mul3A : i32
    %add3A = arith.constant 0 : i32
    %add3A_1 = arith.addi %mul3A_0, %add3A : i32
    %dma_start3A = arith.constant 0 : i32
    %dma_start3A_2 = tpu.memref_slice %arg1[%add3A_1, %dma_start3A] : memref<8192x768xf32, #tpu.memory_space<hbm>> -> memref<256x768xf32, #tpu.memory_space<hbm>>
    tpu.enqueue_dma source(%dma_start3A_2 : memref<256x768xf32, #tpu.memory_space<hbm>>) target(%arg3 : memref<256x768xf32, #tpu.memory_space<vmem_shared>>) target_semaphore(%arg5 : memref<!tpu.dma_semaphore, #tpu.memory_space<semaphore_mem>>)
    %add3A_3 = arith.constant 256 : i32
    %add3A_4 = arith.addi %mul3A_0, %add3A_3 : i32
    %dma_start3A_5 = arith.constant 0 : i32
    %dma_start3A_6 = tpu.memref_slice %arg1[%add3A_4, %dma_start3A_5] : memref<8192x768xf32, #tpu.memory_space<hbm>> -> memref<256x768xf32, #tpu.memory_space<hbm>>
    tpu.enqueue_dma source(%dma_start3A_6 : memref<256x768xf32, #tpu.memory_space<hbm>>) target(%arg4 : memref<256x768xf32, #tpu.memory_space<vmem_shared>>) target_semaphore(%arg6 : memref<!tpu.dma_semaphore, #tpu.memory_space<semaphore_mem>>)
    %dma_wait3A = arith.constant 0 : i32
    %dma_wait3A_7 = tpu.memref_slice %arg1[%add3A_1, %dma_wait3A] : memref<8192x768xf32, #tpu.memory_space<hbm>> -> memref<256x768xf32, #tpu.memory_space<hbm>>
    tpu.wait_dma2 semaphore(%arg5 : memref<!tpu.dma_semaphore, #tpu.memory_space<semaphore_mem>>) src(%dma_wait3A_7 : memref<256x768xf32, #tpu.memory_space<hbm>>) dst(%arg3 : memref<256x768xf32, #tpu.memory_space<vmem_shared>>)
    %add3A_8 = arith.constant 0 : i32
    %add3A_9 = arith.addi %mul3A_0, %add3A_8 : i32
    %dma_start3A_10 = arith.constant 0 : i32
    %dma_start3A_11 = tpu.memref_slice %arg2[%add3A_9, %dma_start3A_10] : memref<8192x768xf32, #tpu.memory_space<hbm>> -> memref<256x768xf32, #tpu.memory_space<hbm>>
    tpu.enqueue_dma source(%arg3 : memref<256x768xf32, #tpu.memory_space<vmem_shared>>) target(%dma_start3A_11 : memref<256x768xf32, #tpu.memory_space<hbm>>) target_semaphore(%arg7 : memref<!tpu.dma_semaphore, #tpu.memory_space<semaphore_mem>>)
    %dma_wait3A_12 = arith.constant 0 : i32
    %dma_wait3A_13 = tpu.memref_slice %arg2[%add3A_9, %dma_wait3A_12] : memref<8192x768xf32, #tpu.memory_space<hbm>> -> memref<256x768xf32, #tpu.memory_space<hbm>>
    tpu.wait_dma2 semaphore(%arg7 : memref<!tpu.dma_semaphore, #tpu.memory_space<semaphore_mem>>) src(%arg3 : memref<256x768xf32, #tpu.memory_space<vmem_shared>>) dst(%dma_wait3A_13 : memref<256x768xf32, #tpu.memory_space<hbm>>)
    %add3A_14 = arith.constant 512 : i32
    %add3A_15 = arith.addi %mul3A_0, %add3A_14 : i32
    %dma_start3A_16 = arith.constant 0 : i32
    %dma_start3A_17 = tpu.memref_slice %arg1[%add3A_15, %dma_start3A_16] : memref<8192x768xf32, #tpu.memory_space<hbm>> -> memref<256x768xf32, #tpu.memory_space<hbm>>
    tpu.enqueue_dma source(%dma_start3A_17 : memref<256x768xf32, #tpu.memory_space<hbm>>) target(%arg3 : memref<256x768xf32, #tpu.memory_space<vmem_shared>>) target_semaphore(%arg5 : memref<!tpu.dma_semaphore, #tpu.memory_space<semaphore_mem>>)
    %dma_wait3A_18 = arith.constant 0 : i32
    %dma_wait3A_19 = tpu.memref_slice %arg1[%add3A_4, %dma_wait3A_18] : memref<8192x768xf32, #tpu.memory_space<hbm>> -> memref<256x768xf32, #tpu.memory_space<hbm>>
    tpu.wait_dma2 semaphore(%arg6 : memref<!tpu.dma_semaphore, #tpu.memory_space<semaphore_mem>>) src(%dma_wait3A_19 : memref<256x768xf32, #tpu.memory_space<hbm>>) dst(%arg4 : memref<256x768xf32, #tpu.memory_space<vmem_shared>>)
    %add3A_20 = arith.constant 256 : i32
    %add3A_21 = arith.addi %mul3A_0, %add3A_20 : i32
    %dma_start3A_22 = arith.constant 0 : i32
    %dma_start3A_23 = tpu.memref_slice %arg2[%add3A_21, %dma_start3A_22] : memref<8192x768xf32, #tpu.memory_space<hbm>> -> memref<256x768xf32, #tpu.memory_space<hbm>>
    tpu.enqueue_dma source(%arg4 : memref<256x768xf32, #tpu.memory_space<vmem_shared>>) target(%dma_start3A_23 : memref<256x768xf32, #tpu.memory_space<hbm>>) target_semaphore(%arg8 : memref<!tpu.dma_semaphore, #tpu.memory_space<semaphore_mem>>)
    %dma_wait3A_24 = arith.constant 0 : i32
    %dma_wait3A_25 = tpu.memref_slice %arg2[%add3A_21, %dma_wait3A_24] : memref<8192x768xf32, #tpu.memory_space<hbm>> -> memref<256x768xf32, #tpu.memory_space<hbm>>
    tpu.wait_dma2 semaphore(%arg8 : memref<!tpu.dma_semaphore, #tpu.memory_space<semaphore_mem>>) src(%arg4 : memref<256x768xf32, #tpu.memory_space<vmem_shared>>) dst(%dma_wait3A_25 : memref<256x768xf32, #tpu.memory_space<hbm>>)
    %add3A_26 = arith.constant 768 : i32
    %add3A_27 = arith.addi %mul3A_0, %add3A_26 : i32
    %dma_start3A_28 = arith.constant 0 : i32
    %dma_start3A_29 = tpu.memref_slice %arg1[%add3A_27, %dma_start3A_28] : memref<8192x768xf32, #tpu.memory_space<hbm>> -> memref<256x768xf32, #tpu.memory_space<hbm>>
    tpu.enqueue_dma source(%dma_start3A_29 : memref<256x768xf32, #tpu.memory_space<hbm>>) target(%arg4 : memref<256x768xf32, #tpu.memory_space<vmem_shared>>) target_semaphore(%arg6 : memref<!tpu.dma_semaphore, #tpu.memory_space<semaphore_mem>>)
    %dma_wait3A_30 = arith.constant 0 : i32
    %dma_wait3A_31 = tpu.memref_slice %arg1[%add3A_15, %dma_wait3A_30] : memref<8192x768xf32, #tpu.memory_space<hbm>> -> memref<256x768xf32, #tpu.memory_space<hbm>>
    tpu.wait_dma2 semaphore(%arg5 : memref<!tpu.dma_semaphore, #tpu.memory_space<semaphore_mem>>) src(%dma_wait3A_31 : memref<256x768xf32, #tpu.memory_space<hbm>>) dst(%arg3 : memref<256x768xf32, #tpu.memory_space<vmem_shared>>)
    %add3A_32 = arith.constant 512 : i32
    %add3A_33 = arith.addi %mul3A_0, %add3A_32 : i32
    %dma_start3A_34 = arith.constant 0 : i32
    %dma_start3A_35 = tpu.memref_slice %arg2[%add3A_33, %dma_start3A_34] : memref<8192x768xf32, #tpu.memory_space<hbm>> -> memref<256x768xf32, #tpu.memory_space<hbm>>
    tpu.enqueue_dma source(%arg3 : memref<256x768xf32, #tpu.memory_space<vmem_shared>>) target(%dma_start3A_35 : memref<256x768xf32, #tpu.memory_space<hbm>>) target_semaphore(%arg7 : memref<!tpu.dma_semaphore, #tpu.memory_space<semaphore_mem>>)
    %dma_wait3A_36 = arith.constant 0 : i32
    %dma_wait3A_37 = tpu.memref_slice %arg2[%add3A_33, %dma_wait3A_36] : memref<8192x768xf32, #tpu.memory_space<hbm>> -> memref<256x768xf32, #tpu.memory_space<hbm>>
    tpu.wait_dma2 semaphore(%arg7 : memref<!tpu.dma_semaphore, #tpu.memory_space<semaphore_mem>>) src(%arg3 : memref<256x768xf32, #tpu.memory_space<vmem_shared>>) dst(%dma_wait3A_37 : memref<256x768xf32, #tpu.memory_space<hbm>>)
    %add3A_38 = arith.constant 1024 : i32
    %add3A_39 = arith.addi %mul3A_0, %add3A_38 : i32
    %dma_start3A_40 = arith.constant 0 : i32
    %dma_start3A_41 = tpu.memref_slice %arg1[%add3A_39, %dma_start3A_40] : memref<8192x768xf32, #tpu.memory_space<hbm>> -> memref<256x768xf32, #tpu.memory_space<hbm>>
    tpu.enqueue_dma source(%dma_start3A_41 : memref<256x768xf32, #tpu.memory_space<hbm>>) target(%arg3 : memref<256x768xf32, #tpu.memory_space<vmem_shared>>) target_semaphore(%arg5 : memref<!tpu.dma_semaphore, #tpu.memory_space<semaphore_mem>>)
    %dma_wait3A_42 = arith.constant 0 : i32
    %dma_wait3A_43 = tpu.memref_slice %arg1[%add3A_27, %dma_wait3A_42] : memref<8192x768xf32, #tpu.memory_space<hbm>> -> memref<256x768xf32, #tpu.memory_space<hbm>>
    tpu.wait_dma2 semaphore(%arg6 : memref<!tpu.dma_semaphore, #tpu.memory_space<semaphore_mem>>) src(%dma_wait3A_43 : memref<256x768xf32, #tpu.memory_space<hbm>>) dst(%arg4 : memref<256x768xf32, #tpu.memory_space<vmem_shared>>)
    %add3A_44 = arith.constant 768 : i32
    %add3A_45 = arith.addi %mul3A_0, %add3A_44 : i32
    %dma_start3A_46 = arith.constant 0 : i32
    %dma_start3A_47 = tpu.memref_slice %arg2[%add3A_45, %dma_start3A_46] : memref<8192x768xf32, #tpu.memory_space<hbm>> -> memref<256x768xf32, #tpu.memory_space<hbm>>
    tpu.enqueue_dma source(%arg4 : memref<256x768xf32, #tpu.memory_space<vmem_shared>>) target(%dma_start3A_47 : memref<256x768xf32, #tpu.memory_space<hbm>>) target_semaphore(%arg8 : memref<!tpu.dma_semaphore, #tpu.memory_space<semaphore_mem>>)
    %dma_wait3A_48 = arith.constant 0 : i32
    %dma_wait3A_49 = tpu.memref_slice %arg2[%add3A_45, %dma_wait3A_48] : memref<8192x768xf32, #tpu.memory_space<hbm>> -> memref<256x768xf32, #tpu.memory_space<hbm>>
    tpu.wait_dma2 semaphore(%arg8 : memref<!tpu.dma_semaphore, #tpu.memory_space<semaphore_mem>>) src(%arg4 : memref<256x768xf32, #tpu.memory_space<vmem_shared>>) dst(%dma_wait3A_49 : memref<256x768xf32, #tpu.memory_space<hbm>>)
    %add3A_50 = arith.constant 1280 : i32
    %add3A_51 = arith.addi %mul3A_0, %add3A_50 : i32
    %dma_start3A_52 = arith.constant 0 : i32
    %dma_start3A_53 = tpu.memref_slice %arg1[%add3A_51, %dma_start3A_52] : memref<8192x768xf32, #tpu.memory_space<hbm>> -> memref<256x768xf32, #tpu.memory_space<hbm>>
    tpu.enqueue_dma source(%dma_start3A_53 : memref<256x768xf32, #tpu.memory_space<hbm>>) target(%arg4 : memref<256x768xf32, #tpu.memory_space<vmem_shared>>) target_semaphore(%arg6 : memref<!tpu.dma_semaphore, #tpu.memory_space<semaphore_mem>>)
    %dma_wait3A_54 = arith.constant 0 : i32
    %dma_wait3A_55 = tpu.memref_slice %arg1[%add3A_39, %dma_wait3A_54] : memref<8192x768xf32, #tpu.memory_space<hbm>> -> memref<256x768xf32, #tpu.memory_space<hbm>>
    tpu.wait_dma2 semaphore(%arg5 : memref<!tpu.dma_semaphore, #tpu.memory_space<semaphore_mem>>) src(%dma_wait3A_55 : memref<256x768xf32, #tpu.memory_space<hbm>>) dst(%arg3 : memref<256x768xf32, #tpu.memory_space<vmem_shared>>)
    %add3A_56 = arith.constant 1024 : i32
    %add3A_57 = arith.addi %mul3A_0, %add3A_56 : i32
    %dma_start3A_58 = arith.constant 0 : i32
    %dma_start3A_59 = tpu.memref_slice %arg2[%add3A_57, %dma_start3A_58] : memref<8192x768xf32, #tpu.memory_space<hbm>> -> memref<256x768xf32, #tpu.memory_space<hbm>>
    tpu.enqueue_dma source(%arg3 : memref<256x768xf32, #tpu.memory_space<vmem_shared>>) target(%dma_start3A_59 : memref<256x768xf32, #tpu.memory_space<hbm>>) target_semaphore(%arg7 : memref<!tpu.dma_semaphore, #tpu.memory_space<semaphore_mem>>)
    %dma_wait3A_60 = arith.constant 0 : i32
    %dma_wait3A_61 = tpu.memref_slice %arg2[%add3A_57, %dma_wait3A_60] : memref<8192x768xf32, #tpu.memory_space<hbm>> -> memref<256x768xf32, #tpu.memory_space<hbm>>
    tpu.wait_dma2 semaphore(%arg7 : memref<!tpu.dma_semaphore, #tpu.memory_space<semaphore_mem>>) src(%arg3 : memref<256x768xf32, #tpu.memory_space<vmem_shared>>) dst(%dma_wait3A_61 : memref<256x768xf32, #tpu.memory_space<hbm>>)
    %add3A_62 = arith.constant 1536 : i32
    %add3A_63 = arith.addi %mul3A_0, %add3A_62 : i32
    %dma_start3A_64 = arith.constant 0 : i32
    %dma_start3A_65 = tpu.memref_slice %arg1[%add3A_63, %dma_start3A_64] : memref<8192x768xf32, #tpu.memory_space<hbm>> -> memref<256x768xf32, #tpu.memory_space<hbm>>
    tpu.enqueue_dma source(%dma_start3A_65 : memref<256x768xf32, #tpu.memory_space<hbm>>) target(%arg3 : memref<256x768xf32, #tpu.memory_space<vmem_shared>>) target_semaphore(%arg5 : memref<!tpu.dma_semaphore, #tpu.memory_space<semaphore_mem>>)
    %dma_wait3A_66 = arith.constant 0 : i32
    %dma_wait3A_67 = tpu.memref_slice %arg1[%add3A_51, %dma_wait3A_66] : memref<8192x768xf32, #tpu.memory_space<hbm>> -> memref<256x768xf32, #tpu.memory_space<hbm>>
    tpu.wait_dma2 semaphore(%arg6 : memref<!tpu.dma_semaphore, #tpu.memory_space<semaphore_mem>>) src(%dma_wait3A_67 : memref<256x768xf32, #tpu.memory_space<hbm>>) dst(%arg4 : memref<256x768xf32, #tpu.memory_space<vmem_shared>>)
    %add3A_68 = arith.constant 1280 : i32
    %add3A_69 = arith.addi %mul3A_0, %add3A_68 : i32
    %dma_start3A_70 = arith.constant 0 : i32
    %dma_start3A_71 = tpu.memref_slice %arg2[%add3A_69, %dma_start3A_70] : memref<8192x768xf32, #tpu.memory_space<hbm>> -> memref<256x768xf32, #tpu.memory_space<hbm>>
    tpu.enqueue_dma source(%arg4 : memref<256x768xf32, #tpu.memory_space<vmem_shared>>) target(%dma_start3A_71 : memref<256x768xf32, #tpu.memory_space<hbm>>) target_semaphore(%arg8 : memref<!tpu.dma_semaphore, #tpu.memory_space<semaphore_mem>>)
    %dma_wait3A_72 = arith.constant 0 : i32
    %dma_wait3A_73 = tpu.memref_slice %arg2[%add3A_69, %dma_wait3A_72] : memref<8192x768xf32, #tpu.memory_space<hbm>> -> memref<256x768xf32, #tpu.memory_space<hbm>>
    tpu.wait_dma2 semaphore(%arg8 : memref<!tpu.dma_semaphore, #tpu.memory_space<semaphore_mem>>) src(%arg4 : memref<256x768xf32, #tpu.memory_space<vmem_shared>>) dst(%dma_wait3A_73 : memref<256x768xf32, #tpu.memory_space<hbm>>)
    %add3A_74 = arith.constant 1792 : i32
    %add3A_75 = arith.addi %mul3A_0, %add3A_74 : i32
    %dma_start3A_76 = arith.constant 0 : i32
    %dma_start3A_77 = tpu.memref_slice %arg1[%add3A_75, %dma_start3A_76] : memref<8192x768xf32, #tpu.memory_space<hbm>> -> memref<256x768xf32, #tpu.memory_space<hbm>>
    tpu.enqueue_dma source(%dma_start3A_77 : memref<256x768xf32, #tpu.memory_space<hbm>>) target(%arg4 : memref<256x768xf32, #tpu.memory_space<vmem_shared>>) target_semaphore(%arg6 : memref<!tpu.dma_semaphore, #tpu.memory_space<semaphore_mem>>)
    %dma_wait3A_78 = arith.constant 0 : i32
    %dma_wait3A_79 = tpu.memref_slice %arg1[%add3A_63, %dma_wait3A_78] : memref<8192x768xf32, #tpu.memory_space<hbm>> -> memref<256x768xf32, #tpu.memory_space<hbm>>
    tpu.wait_dma2 semaphore(%arg5 : memref<!tpu.dma_semaphore, #tpu.memory_space<semaphore_mem>>) src(%dma_wait3A_79 : memref<256x768xf32, #tpu.memory_space<hbm>>) dst(%arg3 : memref<256x768xf32, #tpu.memory_space<vmem_shared>>)
    %add3A_80 = arith.constant 1536 : i32
    %add3A_81 = arith.addi %mul3A_0, %add3A_80 : i32
    %dma_start3A_82 = arith.constant 0 : i32
    %dma_start3A_83 = tpu.memref_slice %arg2[%add3A_81, %dma_start3A_82] : memref<8192x768xf32, #tpu.memory_space<hbm>> -> memref<256x768xf32, #tpu.memory_space<hbm>>
    tpu.enqueue_dma source(%arg3 : memref<256x768xf32, #tpu.memory_space<vmem_shared>>) target(%dma_start3A_83 : memref<256x768xf32, #tpu.memory_space<hbm>>) target_semaphore(%arg7 : memref<!tpu.dma_semaphore, #tpu.memory_space<semaphore_mem>>)
    %dma_wait3A_84 = arith.constant 0 : i32
    %dma_wait3A_85 = tpu.memref_slice %arg2[%add3A_81, %dma_wait3A_84] : memref<8192x768xf32, #tpu.memory_space<hbm>> -> memref<256x768xf32, #tpu.memory_space<hbm>>
    tpu.wait_dma2 semaphore(%arg7 : memref<!tpu.dma_semaphore, #tpu.memory_space<semaphore_mem>>) src(%arg3 : memref<256x768xf32, #tpu.memory_space<vmem_shared>>) dst(%dma_wait3A_85 : memref<256x768xf32, #tpu.memory_space<hbm>>)
    %add3A_86 = arith.constant 2048 : i32
    %add3A_87 = arith.addi %mul3A_0, %add3A_86 : i32
    %dma_start3A_88 = arith.constant 0 : i32
    %dma_start3A_89 = tpu.memref_slice %arg1[%add3A_87, %dma_start3A_88] : memref<8192x768xf32, #tpu.memory_space<hbm>> -> memref<256x768xf32, #tpu.memory_space<hbm>>
    tpu.enqueue_dma source(%dma_start3A_89 : memref<256x768xf32, #tpu.memory_space<hbm>>) target(%arg3 : memref<256x768xf32, #tpu.memory_space<vmem_shared>>) target_semaphore(%arg5 : memref<!tpu.dma_semaphore, #tpu.memory_space<semaphore_mem>>)
    %dma_wait3A_90 = arith.constant 0 : i32
    %dma_wait3A_91 = tpu.memref_slice %arg1[%add3A_75, %dma_wait3A_90] : memref<8192x768xf32, #tpu.memory_space<hbm>> -> memref<256x768xf32, #tpu.memory_space<hbm>>
    tpu.wait_dma2 semaphore(%arg6 : memref<!tpu.dma_semaphore, #tpu.memory_space<semaphore_mem>>) src(%dma_wait3A_91 : memref<256x768xf32, #tpu.memory_space<hbm>>) dst(%arg4 : memref<256x768xf32, #tpu.memory_space<vmem_shared>>)
    %add3A_92 = arith.constant 1792 : i32
    %add3A_93 = arith.addi %mul3A_0, %add3A_92 : i32
    %dma_start3A_94 = arith.constant 0 : i32
    %dma_start3A_95 = tpu.memref_slice %arg2[%add3A_93, %dma_start3A_94] : memref<8192x768xf32, #tpu.memory_space<hbm>> -> memref<256x768xf32, #tpu.memory_space<hbm>>
    tpu.enqueue_dma source(%arg4 : memref<256x768xf32, #tpu.memory_space<vmem_shared>>) target(%dma_start3A_95 : memref<256x768xf32, #tpu.memory_space<hbm>>) target_semaphore(%arg8 : memref<!tpu.dma_semaphore, #tpu.memory_space<semaphore_mem>>)
    %dma_wait3A_96 = arith.constant 0 : i32
    %dma_wait3A_97 = tpu.memref_slice %arg2[%add3A_93, %dma_wait3A_96] : memref<8192x768xf32, #tpu.memory_space<hbm>> -> memref<256x768xf32, #tpu.memory_space<hbm>>
    tpu.wait_dma2 semaphore(%arg8 : memref<!tpu.dma_semaphore, #tpu.memory_space<semaphore_mem>>) src(%arg4 : memref<256x768xf32, #tpu.memory_space<vmem_shared>>) dst(%dma_wait3A_97 : memref<256x768xf32, #tpu.memory_space<hbm>>)
    %add3A_98 = arith.constant 2304 : i32
    %add3A_99 = arith.addi %mul3A_0, %add3A_98 : i32
    %dma_start3A_100 = arith.constant 0 : i32
    %dma_start3A_101 = tpu.memref_slice %arg1[%add3A_99, %dma_start3A_100] : memref<8192x768xf32, #tpu.memory_space<hbm>> -> memref<256x768xf32, #tpu.memory_space<hbm>>
    tpu.enqueue_dma source(%dma_start3A_101 : memref<256x768xf32, #tpu.memory_space<hbm>>) target(%arg4 : memref<256x768xf32, #tpu.memory_space<vmem_shared>>) target_semaphore(%arg6 : memref<!tpu.dma_semaphore, #tpu.memory_space<semaphore_mem>>)
    %dma_wait3A_102 = arith.constant 0 : i32
    %dma_wait3A_103 = tpu.memref_slice %arg1[%add3A_87, %dma_wait3A_102] : memref<8192x768xf32, #tpu.memory_space<hbm>> -> memref<256x768xf32, #tpu.memory_space<hbm>>
    tpu.wait_dma2 semaphore(%arg5 : memref<!tpu.dma_semaphore, #tpu.memory_space<semaphore_mem>>) src(%dma_wait3A_103 : memref<256x768xf32, #tpu.memory_space<hbm>>) dst(%arg3 : memref<256x768xf32, #tpu.memory_space<vmem_shared>>)
    %add3A_104 = arith.constant 2048 : i32
    %add3A_105 = arith.addi %mul3A_0, %add3A_104 : i32
    %dma_start3A_106 = arith.constant 0 : i32
    %dma_start3A_107 = tpu.memref_slice %arg2[%add3A_105, %dma_start3A_106] : memref<8192x768xf32, #tpu.memory_space<hbm>> -> memref<256x768xf32, #tpu.memory_space<hbm>>
    tpu.enqueue_dma source(%arg3 : memref<256x768xf32, #tpu.memory_space<vmem_shared>>) target(%dma_start3A_107 : memref<256x768xf32, #tpu.memory_space<hbm>>) target_semaphore(%arg7 : memref<!tpu.dma_semaphore, #tpu.memory_space<semaphore_mem>>)
    %dma_wait3A_108 = arith.constant 0 : i32
    %dma_wait3A_109 = tpu.memref_slice %arg2[%add3A_105, %dma_wait3A_108] : memref<8192x768xf32, #tpu.memory_space<hbm>> -> memref<256x768xf32, #tpu.memory_space<hbm>>
    tpu.wait_dma2 semaphore(%arg7 : memref<!tpu.dma_semaphore, #tpu.memory_space<semaphore_mem>>) src(%arg3 : memref<256x768xf32, #tpu.memory_space<vmem_shared>>) dst(%dma_wait3A_109 : memref<256x768xf32, #tpu.memory_space<hbm>>)
    %add3A_110 = arith.constant 2560 : i32
    %add3A_111 = arith.addi %mul3A_0, %add3A_110 : i32
    %dma_start3A_112 = arith.constant 0 : i32
    %dma_start3A_113 = tpu.memref_slice %arg1[%add3A_111, %dma_start3A_112] : memref<8192x768xf32, #tpu.memory_space<hbm>> -> memref<256x768xf32, #tpu.memory_space<hbm>>
    tpu.enqueue_dma source(%dma_start3A_113 : memref<256x768xf32, #tpu.memory_space<hbm>>) target(%arg3 : memref<256x768xf32, #tpu.memory_space<vmem_shared>>) target_semaphore(%arg5 : memref<!tpu.dma_semaphore, #tpu.memory_space<semaphore_mem>>)
    %dma_wait3A_114 = arith.constant 0 : i32
    %dma_wait3A_115 = tpu.memref_slice %arg1[%add3A_99, %dma_wait3A_114] : memref<8192x768xf32, #tpu.memory_space<hbm>> -> memref<256x768xf32, #tpu.memory_space<hbm>>
    tpu.wait_dma2 semaphore(%arg6 : memref<!tpu.dma_semaphore, #tpu.memory_space<semaphore_mem>>) src(%dma_wait3A_115 : memref<256x768xf32, #tpu.memory_space<hbm>>) dst(%arg4 : memref<256x768xf32, #tpu.memory_space<vmem_shared>>)
    %add3A_116 = arith.constant 2304 : i32
    %add3A_117 = arith.addi %mul3A_0, %add3A_116 : i32
    %dma_start3A_118 = arith.constant 0 : i32
    %dma_start3A_119 = tpu.memref_slice %arg2[%add3A_117, %dma_start3A_118] : memref<8192x768xf32, #tpu.memory_space<hbm>> -> memref<256x768xf32, #tpu.memory_space<hbm>>
    tpu.enqueue_dma source(%arg4 : memref<256x768xf32, #tpu.memory_space<vmem_shared>>) target(%dma_start3A_119 : memref<256x768xf32, #tpu.memory_space<hbm>>) target_semaphore(%arg8 : memref<!tpu.dma_semaphore, #tpu.memory_space<semaphore_mem>>)
    %dma_wait3A_120 = arith.constant 0 : i32
    %dma_wait3A_121 = tpu.memref_slice %arg2[%add3A_117, %dma_wait3A_120] : memref<8192x768xf32, #tpu.memory_space<hbm>> -> memref<256x768xf32, #tpu.memory_space<hbm>>
    tpu.wait_dma2 semaphore(%arg8 : memref<!tpu.dma_semaphore, #tpu.memory_space<semaphore_mem>>) src(%arg4 : memref<256x768xf32, #tpu.memory_space<vmem_shared>>) dst(%dma_wait3A_121 : memref<256x768xf32, #tpu.memory_space<hbm>>)
    %add3A_122 = arith.constant 2816 : i32
    %add3A_123 = arith.addi %mul3A_0, %add3A_122 : i32
    %dma_start3A_124 = arith.constant 0 : i32
    %dma_start3A_125 = tpu.memref_slice %arg1[%add3A_123, %dma_start3A_124] : memref<8192x768xf32, #tpu.memory_space<hbm>> -> memref<256x768xf32, #tpu.memory_space<hbm>>
    tpu.enqueue_dma source(%dma_start3A_125 : memref<256x768xf32, #tpu.memory_space<hbm>>) target(%arg4 : memref<256x768xf32, #tpu.memory_space<vmem_shared>>) target_semaphore(%arg6 : memref<!tpu.dma_semaphore, #tpu.memory_space<semaphore_mem>>)
    %dma_wait3A_126 = arith.constant 0 : i32
    %dma_wait3A_127 = tpu.memref_slice %arg1[%add3A_111, %dma_wait3A_126] : memref<8192x768xf32, #tpu.memory_space<hbm>> -> memref<256x768xf32, #tpu.memory_space<hbm>>
    tpu.wait_dma2 semaphore(%arg5 : memref<!tpu.dma_semaphore, #tpu.memory_space<semaphore_mem>>) src(%dma_wait3A_127 : memref<256x768xf32, #tpu.memory_space<hbm>>) dst(%arg3 : memref<256x768xf32, #tpu.memory_space<vmem_shared>>)
    %add3A_128 = arith.constant 2560 : i32
    %add3A_129 = arith.addi %mul3A_0, %add3A_128 : i32
    %dma_start3A_130 = arith.constant 0 : i32
    %dma_start3A_131 = tpu.memref_slice %arg2[%add3A_129, %dma_start3A_130] : memref<8192x768xf32, #tpu.memory_space<hbm>> -> memref<256x768xf32, #tpu.memory_space<hbm>>
    tpu.enqueue_dma source(%arg3 : memref<256x768xf32, #tpu.memory_space<vmem_shared>>) target(%dma_start3A_131 : memref<256x768xf32, #tpu.memory_space<hbm>>) target_semaphore(%arg7 : memref<!tpu.dma_semaphore, #tpu.memory_space<semaphore_mem>>)
    %dma_wait3A_132 = arith.constant 0 : i32
    %dma_wait3A_133 = tpu.memref_slice %arg2[%add3A_129, %dma_wait3A_132] : memref<8192x768xf32, #tpu.memory_space<hbm>> -> memref<256x768xf32, #tpu.memory_space<hbm>>
    tpu.wait_dma2 semaphore(%arg7 : memref<!tpu.dma_semaphore, #tpu.memory_space<semaphore_mem>>) src(%arg3 : memref<256x768xf32, #tpu.memory_space<vmem_shared>>) dst(%dma_wait3A_133 : memref<256x768xf32, #tpu.memory_space<hbm>>)
    %add3A_134 = arith.constant 3072 : i32
    %add3A_135 = arith.addi %mul3A_0, %add3A_134 : i32
    %dma_start3A_136 = arith.constant 0 : i32
    %dma_start3A_137 = tpu.memref_slice %arg1[%add3A_135, %dma_start3A_136] : memref<8192x768xf32, #tpu.memory_space<hbm>> -> memref<256x768xf32, #tpu.memory_space<hbm>>
    tpu.enqueue_dma source(%dma_start3A_137 : memref<256x768xf32, #tpu.memory_space<hbm>>) target(%arg3 : memref<256x768xf32, #tpu.memory_space<vmem_shared>>) target_semaphore(%arg5 : memref<!tpu.dma_semaphore, #tpu.memory_space<semaphore_mem>>)
    %dma_wait3A_138 = arith.constant 0 : i32
    %dma_wait3A_139 = tpu.memref_slice %arg1[%add3A_123, %dma_wait3A_138] : memref<8192x768xf32, #tpu.memory_space<hbm>> -> memref<256x768xf32, #tpu.memory_space<hbm>>
    tpu.wait_dma2 semaphore(%arg6 : memref<!tpu.dma_semaphore, #tpu.memory_space<semaphore_mem>>) src(%dma_wait3A_139 : memref<256x768xf32, #tpu.memory_space<hbm>>) dst(%arg4 : memref<256x768xf32, #tpu.memory_space<vmem_shared>>)
    %add3A_140 = arith.constant 2816 : i32
    %add3A_141 = arith.addi %mul3A_0, %add3A_140 : i32
    %dma_start3A_142 = arith.constant 0 : i32
    %dma_start3A_143 = tpu.memref_slice %arg2[%add3A_141, %dma_start3A_142] : memref<8192x768xf32, #tpu.memory_space<hbm>> -> memref<256x768xf32, #tpu.memory_space<hbm>>
    tpu.enqueue_dma source(%arg4 : memref<256x768xf32, #tpu.memory_space<vmem_shared>>) target(%dma_start3A_143 : memref<256x768xf32, #tpu.memory_space<hbm>>) target_semaphore(%arg8 : memref<!tpu.dma_semaphore, #tpu.memory_space<semaphore_mem>>)
    %dma_wait3A_144 = arith.constant 0 : i32
    %dma_wait3A_145 = tpu.memref_slice %arg2[%add3A_141, %dma_wait3A_144] : memref<8192x768xf32, #tpu.memory_space<hbm>> -> memref<256x768xf32, #tpu.memory_space<hbm>>
    tpu.wait_dma2 semaphore(%arg8 : memref<!tpu.dma_semaphore, #tpu.memory_space<semaphore_mem>>) src(%arg4 : memref<256x768xf32, #tpu.memory_space<vmem_shared>>) dst(%dma_wait3A_145 : memref<256x768xf32, #tpu.memory_space<hbm>>)
    %add3A_146 = arith.constant 3328 : i32
    %add3A_147 = arith.addi %mul3A_0, %add3A_146 : i32
    %dma_start3A_148 = arith.constant 0 : i32
    %dma_start3A_149 = tpu.memref_slice %arg1[%add3A_147, %dma_start3A_148] : memref<8192x768xf32, #tpu.memory_space<hbm>> -> memref<256x768xf32, #tpu.memory_space<hbm>>
    tpu.enqueue_dma source(%dma_start3A_149 : memref<256x768xf32, #tpu.memory_space<hbm>>) target(%arg4 : memref<256x768xf32, #tpu.memory_space<vmem_shared>>) target_semaphore(%arg6 : memref<!tpu.dma_semaphore, #tpu.memory_space<semaphore_mem>>)
    %dma_wait3A_150 = arith.constant 0 : i32
    %dma_wait3A_151 = tpu.memref_slice %arg1[%add3A_135, %dma_wait3A_150] : memref<8192x768xf32, #tpu.memory_space<hbm>> -> memref<256x768xf32, #tpu.memory_space<hbm>>
    tpu.wait_dma2 semaphore(%arg5 : memref<!tpu.dma_semaphore, #tpu.memory_space<semaphore_mem>>) src(%dma_wait3A_151 : memref<256x768xf32, #tpu.memory_space<hbm>>) dst(%arg3 : memref<256x768xf32, #tpu.memory_space<vmem_shared>>)
    %add3A_152 = arith.constant 3072 : i32
    %add3A_153 = arith.addi %mul3A_0, %add3A_152 : i32
    %dma_start3A_154 = arith.constant 0 : i32
    %dma_start3A_155 = tpu.memref_slice %arg2[%add3A_153, %dma_start3A_154] : memref<8192x768xf32, #tpu.memory_space<hbm>> -> memref<256x768xf32, #tpu.memory_space<hbm>>
    tpu.enqueue_dma source(%arg3 : memref<256x768xf32, #tpu.memory_space<vmem_shared>>) target(%dma_start3A_155 : memref<256x768xf32, #tpu.memory_space<hbm>>) target_semaphore(%arg7 : memref<!tpu.dma_semaphore, #tpu.memory_space<semaphore_mem>>)
    %dma_wait3A_156 = arith.constant 0 : i32
    %dma_wait3A_157 = tpu.memref_slice %arg2[%add3A_153, %dma_wait3A_156] : memref<8192x768xf32, #tpu.memory_space<hbm>> -> memref<256x768xf32, #tpu.memory_space<hbm>>
    tpu.wait_dma2 semaphore(%arg7 : memref<!tpu.dma_semaphore, #tpu.memory_space<semaphore_mem>>) src(%arg3 : memref<256x768xf32, #tpu.memory_space<vmem_shared>>) dst(%dma_wait3A_157 : memref<256x768xf32, #tpu.memory_space<hbm>>)
    %add3A_158 = arith.constant 3584 : i32
    %add3A_159 = arith.addi %mul3A_0, %add3A_158 : i32
    %dma_start3A_160 = arith.constant 0 : i32
    %dma_start3A_161 = tpu.memref_slice %arg1[%add3A_159, %dma_start3A_160] : memref<8192x768xf32, #tpu.memory_space<hbm>> -> memref<256x768xf32, #tpu.memory_space<hbm>>
    tpu.enqueue_dma source(%dma_start3A_161 : memref<256x768xf32, #tpu.memory_space<hbm>>) target(%arg3 : memref<256x768xf32, #tpu.memory_space<vmem_shared>>) target_semaphore(%arg5 : memref<!tpu.dma_semaphore, #tpu.memory_space<semaphore_mem>>)
    %dma_wait3A_162 = arith.constant 0 : i32
    %dma_wait3A_163 = tpu.memref_slice %arg1[%add3A_147, %dma_wait3A_162] : memref<8192x768xf32, #tpu.memory_space<hbm>> -> memref<256x768xf32, #tpu.memory_space<hbm>>
    tpu.wait_dma2 semaphore(%arg6 : memref<!tpu.dma_semaphore, #tpu.memory_space<semaphore_mem>>) src(%dma_wait3A_163 : memref<256x768xf32, #tpu.memory_space<hbm>>) dst(%arg4 : memref<256x768xf32, #tpu.memory_space<vmem_shared>>)
    %add3A_164 = arith.constant 3328 : i32
    %add3A_165 = arith.addi %mul3A_0, %add3A_164 : i32
    %dma_start3A_166 = arith.constant 0 : i32
    %dma_start3A_167 = tpu.memref_slice %arg2[%add3A_165, %dma_start3A_166] : memref<8192x768xf32, #tpu.memory_space<hbm>> -> memref<256x768xf32, #tpu.memory_space<hbm>>
    tpu.enqueue_dma source(%arg4 : memref<256x768xf32, #tpu.memory_space<vmem_shared>>) target(%dma_start3A_167 : memref<256x768xf32, #tpu.memory_space<hbm>>) target_semaphore(%arg8 : memref<!tpu.dma_semaphore, #tpu.memory_space<semaphore_mem>>)
    %dma_wait3A_168 = arith.constant 0 : i32
    %dma_wait3A_169 = tpu.memref_slice %arg2[%add3A_165, %dma_wait3A_168] : memref<8192x768xf32, #tpu.memory_space<hbm>> -> memref<256x768xf32, #tpu.memory_space<hbm>>
    tpu.wait_dma2 semaphore(%arg8 : memref<!tpu.dma_semaphore, #tpu.memory_space<semaphore_mem>>) src(%arg4 : memref<256x768xf32, #tpu.memory_space<vmem_shared>>) dst(%dma_wait3A_169 : memref<256x768xf32, #tpu.memory_space<hbm>>)
    %add3A_170 = arith.constant 3840 : i32
    %add3A_171 = arith.addi %mul3A_0, %add3A_170 : i32
    %dma_start3A_172 = arith.constant 0 : i32
    %dma_start3A_173 = tpu.memref_slice %arg1[%add3A_171, %dma_start3A_172] : memref<8192x768xf32, #tpu.memory_space<hbm>> -> memref<256x768xf32, #tpu.memory_space<hbm>>
    tpu.enqueue_dma source(%dma_start3A_173 : memref<256x768xf32, #tpu.memory_space<hbm>>) target(%arg4 : memref<256x768xf32, #tpu.memory_space<vmem_shared>>) target_semaphore(%arg6 : memref<!tpu.dma_semaphore, #tpu.memory_space<semaphore_mem>>)
    %dma_wait3A_174 = arith.constant 0 : i32
    %dma_wait3A_175 = tpu.memref_slice %arg1[%add3A_159, %dma_wait3A_174] : memref<8192x768xf32, #tpu.memory_space<hbm>> -> memref<256x768xf32, #tpu.memory_space<hbm>>
    tpu.wait_dma2 semaphore(%arg5 : memref<!tpu.dma_semaphore, #tpu.memory_space<semaphore_mem>>) src(%dma_wait3A_175 : memref<256x768xf32, #tpu.memory_space<hbm>>) dst(%arg3 : memref<256x768xf32, #tpu.memory_space<vmem_shared>>)
    %add3A_176 = arith.constant 3584 : i32
    %add3A_177 = arith.addi %mul3A_0, %add3A_176 : i32
    %dma_start3A_178 = arith.constant 0 : i32
    %dma_start3A_179 = tpu.memref_slice %arg2[%add3A_177, %dma_start3A_178] : memref<8192x768xf32, #tpu.memory_space<hbm>> -> memref<256x768xf32, #tpu.memory_space<hbm>>
    tpu.enqueue_dma source(%arg3 : memref<256x768xf32, #tpu.memory_space<vmem_shared>>) target(%dma_start3A_179 : memref<256x768xf32, #tpu.memory_space<hbm>>) target_semaphore(%arg7 : memref<!tpu.dma_semaphore, #tpu.memory_space<semaphore_mem>>)
    %dma_wait3A_180 = arith.constant 0 : i32
    %dma_wait3A_181 = tpu.memref_slice %arg1[%add3A_171, %dma_wait3A_180] : memref<8192x768xf32, #tpu.memory_space<hbm>> -> memref<256x768xf32, #tpu.memory_space<hbm>>
    tpu.wait_dma2 semaphore(%arg6 : memref<!tpu.dma_semaphore, #tpu.memory_space<semaphore_mem>>) src(%dma_wait3A_181 : memref<256x768xf32, #tpu.memory_space<hbm>>) dst(%arg4 : memref<256x768xf32, #tpu.memory_space<vmem_shared>>)
    %add3A_182 = arith.constant 3840 : i32
    %add3A_183 = arith.addi %mul3A_0, %add3A_182 : i32
    %dma_start3A_184 = arith.constant 0 : i32
    %dma_start3A_185 = tpu.memref_slice %arg2[%add3A_183, %dma_start3A_184] : memref<8192x768xf32, #tpu.memory_space<hbm>> -> memref<256x768xf32, #tpu.memory_space<hbm>>
    tpu.enqueue_dma source(%arg4 : memref<256x768xf32, #tpu.memory_space<vmem_shared>>) target(%dma_start3A_185 : memref<256x768xf32, #tpu.memory_space<hbm>>) target_semaphore(%arg8 : memref<!tpu.dma_semaphore, #tpu.memory_space<semaphore_mem>>)
    %dma_wait3A_186 = arith.constant 0 : i32
    %dma_wait3A_187 = tpu.memref_slice %arg2[%add3A_177, %dma_wait3A_186] : memref<8192x768xf32, #tpu.memory_space<hbm>> -> memref<256x768xf32, #tpu.memory_space<hbm>>
    tpu.wait_dma2 semaphore(%arg7 : memref<!tpu.dma_semaphore, #tpu.memory_space<semaphore_mem>>) src(%arg3 : memref<256x768xf32, #tpu.memory_space<vmem_shared>>) dst(%dma_wait3A_187 : memref<256x768xf32, #tpu.memory_space<hbm>>)
    %dma_wait3A_188 = arith.constant 0 : i32
    %dma_wait3A_189 = tpu.memref_slice %arg2[%add3A_183, %dma_wait3A_188] : memref<8192x768xf32, #tpu.memory_space<hbm>> -> memref<256x768xf32, #tpu.memory_space<hbm>>
    tpu.wait_dma2 semaphore(%arg8 : memref<!tpu.dma_semaphore, #tpu.memory_space<semaphore_mem>>) src(%arg4 : memref<256x768xf32, #tpu.memory_space<vmem_shared>>) dst(%dma_wait3A_189 : memref<256x768xf32, #tpu.memory_space<hbm>>)
    return
  }
}

</mosaic_0001>

<sc_bundles>
// kernel: kernel.3.cloned.1.call-start
scs
__scs_entry_jumppad:
0x0: {  	(pc) =	sbr.rel $0x88, $3  }
0x1: {  	(tag) =	ssettag $0x0;
	lr =	simm.s32 $0x1  }
0x2: {  	[smem:$0x3FA0] =	sst lr;
	_ =	strace $0xD0000000  }
0x3: {  	_ = 	snop  }
0x4: {  	_ = 	snop  }
0x5: {  	_ = 	snop  }
0x6: {  	_ = 	snop  }
0x7: {  	_ = 	snop  }
__scs_overlays_trampoline_lowered:
0x8: {  	[smem:$0x3FAF] =	sst s0  }
0x9: {  	[smem:$0x3FB0] =	sst s1  }
0xa: {  	[smem:$0x3FB1] =	sst s2  }
0xb: {  	[smem:$0x3FB2] =	sst s3  }
0xc: {  	[smem:$0x3FB3] =	sst s4  }
0xd: {  	[smem:$0x3FB4] =	sst s5  }
0xe: {  	[smem:$0x3FB5] =	sst s6  }
0xf: {  	[smem:$0x3FB6] =	sst s7  }
0x10: {  	[smem:$0x3FB7] =	sst s8  }
0x11: {  	[smem:$0x3FB8] =	sst s9;
	s0 =	simm.s32 @!p0 $0x0  }
0x12: {  	s1 =	sld [smem:$0x3F9E];
	s0 =	simm.s32 @p0 $0x1  }
0x13: {  	[smem:$0x3FB9] =	sst s0;
	s0 =	simm.s32 @!p1 $0x0  }
0x14: {  	s2 =	sld [smem:$0x3F9D];
	s0 =	simm.s32 @p1 $0x1  }
0x15: {  	[smem:$0x3FBA] =	sst s0;
	s0 =	simm.s32 @!p2 $0x0  }
0x16: {  	s3 =	sld [smem:$0x3FDB];
	s0 =	simm.s32 @p2 $0x1  }
0x17: {  	s4 =	simm.s32 $0x1BF5;
	[smem:$0x3FBC] =	sst s0  }
0x18: {  	s0 =	sld [smem:$0x3F9F];
	_ =	swait.ge [sflag:s4], $0x0  }
0x19: {  	s7 =	sld [smem:$0x3FA0]  }
0x1a: {  	s8 =	sadd.s32 $0xFFFFE003, lr  }
0x1b: {  	s9 =	sadd.s32 $0xFFFFFEF7, lr;
	s5 =	simm.s32 $0xFFFFFFFF;
	p2 =	slt.u32 s8, $0xFFFFF086  }
0x1c: {  	p1 =	slt.u32 s9, $0xF7A;
	s5 =	simm.s32 @!p2 $0x0  }
0x1d: {  	s5 =	simm.s32 @p1 $0x1;
	p0 =	seq.s32 s7, s2  }
0x1e: {  	s7 =	smul.u32 @!p0 $0xF7A, s2;
	p2 =	seq.s32 @!p0 s5, $0x0  }
0x1f: {  	s9 =	smul.u32 $0xF7A, s1;
	s8 =	simm.s32 @!p0 $0x1BF5;
	p2 =	por !p2, p0  }
0x20: {  	[sflag:s8] =	ssyncset.s32 @!p0 $0xFFFFF086;
	s6 =	sadd.s32 @!p0 s3, s7;
	s7 =	simm.s32 @!p0 $0x108  }
0x21: {  	s3 =	sadd.s32 s3, s9;
	s6 =	sadd.s32 @!p0 $0x88, s6;
	s7 =	simm.s32 @p2 $0x1082  }
0x22: {  	[simem:s7], [sflag:s8] =	dma.local @!p0 [hbm:s6], $0xF7A  }
0x23: {  	s9 =	sor.u32 $0xD0000000, s2;
	s6 =	simm.s32 $0x108;
	_ =	swait.ge @!p0 [sflag:s8], $0x0  }
0x24: {  	s3 =	sadd.s32 $0x88, s3;
	s6 =	simm.s32 @!p1 $0x1082;
	[sflag:s4] =	ssyncset.s32 $0xFFFFF086  }
0x25: {  	[simem:s6], [sflag:s4] =	dma.local [hbm:s3], $0xF7A  }
0x26: {  	[smem:$0x3FA0] =	sst s1;
	(tag) =	ssettag s2;
	_ =	strace s9  }
0x27: {  	s1 =	sld [smem:$0x3FB0]  }
0x28: {  	s2 =	sld [smem:$0x3FB1]  }
0x29: {  	s4 =	sld [smem:$0x3FB3]  }
0x2a: {  	p0 =	seq.s32 s5, $0x0;
	s5 =	sld [smem:$0x3FB4]  }
0x2b: {  	s6 =	sld [smem:$0x3FB5]  }
0x2c: {  	s7 =	sld [smem:$0x3FB6]  }
0x2d: {  	s3 =	simm.s32 $0x108;
	s8 =	sld [smem:$0x3FB7]  }
0x2e: {  	s3 =	simm.s32 @!p0 $0x1082;
	s9 =	sld [smem:$0x3FB8]  }
0x2f: {  	lr =	sadd.s32 s0, s3;
	s0 =	sld [smem:$0x3FAF]  }
0x30: {  	s3 =	sld [smem:$0x3FB2]  }
0x31: {  	[smem:$0x3FBB] =	sst s10  }
0x32: {  	s10 =	sld [smem:$0x3FB9];
	_ =	sdelay $0x3  }
0x33: {  	p0 =	seq.s32 s10, $0x1;
	s10 =	sld [smem:$0x3FBB];
	_ =	sdelay $0x3  }
0x34: {  	[smem:$0x3FBB] =	sst s10  }
0x35: {  	s10 =	sld [smem:$0x3FBA];
	_ =	sdelay $0x3  }
0x36: {  	p1 =	seq.s32 s10, $0x1;
	s10 =	sld [smem:$0x3FBB];
	_ =	sdelay $0x3  }
0x37: {  	[smem:$0x3FBB] =	sst s10  }
0x38: {  	s10 =	sld [smem:$0x3FBC]  }
0x39: {  	_ = 	snop;
	(pc) =	sbr.ind lr, $3  }
0x3a: {  	_ = 	snop  }
0x3b: {  	_ = 	snop  }
0x3c: {  	p2 =	seq.s32 s10, $0x1;
	s10 =	sld [smem:$0x3FBB]  }
0x3d: {  	_ =	shalt  }
0x3e: {  	_ =	shalt  }
0x3f: {  	_ =	shalt  }
0x40: {  	_ =	shalt  }
0x41: {  	_ =	shalt  }
0x42: {  	_ =	shalt  }
0x43: {  	_ =	shalt  }
0x44: {  	_ =	shalt  }
0x45: {  	_ =	shalt  }
0x46: {  	_ =	shalt  }
0x47: {  	_ =	shalt  }
0x48: {  	_ =	shalt  }
0x49: {  	_ =	shalt  }
0x4a: {  	_ =	shalt  }
0x4b: {  	_ =	shalt  }
0x4c: {  	_ =	shalt  }
0x4d: {  	_ =	shalt  }
0x4e: {  	_ =	shalt  }
0x4f: {  	_ =	shalt  }
0x50: {  	_ =	shalt  }
0x51: {  	_ =	shalt  }
0x52: {  	_ =	shalt  }
0x53: {  	_ =	shalt  }
0x54: {  	_ =	shalt  }
0x55: {  	_ =	shalt  }
0x56: {  	_ =	shalt  }
0x57: {  	_ =	shalt  }
0x58: {  	_ =	shalt  }
0x59: {  	_ =	shalt  }
0x5a: {  	_ =	shalt  }
0x5b: {  	_ =	shalt  }
0x5c: {  	_ =	shalt  }
0x5d: {  	_ =	shalt  }
0x5e: {  	_ =	shalt  }
0x5f: {  	_ =	shalt  }
0x60: {  	_ =	shalt  }
0x61: {  	_ =	shalt  }
0x62: {  	_ =	shalt  }
0x63: {  	_ =	shalt  }
0x64: {  	_ =	shalt  }
0x65: {  	_ =	shalt  }
0x66: {  	_ =	shalt  }
0x67: {  	_ =	shalt  }
0x68: {  	_ =	shalt  }
0x69: {  	_ =	shalt  }
0x6a: {  	_ =	shalt  }
0x6b: {  	_ =	shalt  }
0x6c: {  	_ =	shalt  }
0x6d: {  	_ =	shalt  }
0x6e: {  	_ =	shalt  }
0x6f: {  	_ =	shalt  }
0x70: {  	_ =	shalt  }
0x71: {  	_ =	shalt  }
0x72: {  	_ =	shalt  }
0x73: {  	_ =	shalt  }
0x74: {  	_ =	shalt  }
0x75: {  	_ =	shalt  }
0x76: {  	_ =	shalt  }
0x77: {  	_ =	shalt  }
0x78: {  	_ =	shalt  }
0x79: {  	_ =	shalt  }
0x7a: {  	_ =	shalt  }
0x7b: {  	_ =	shalt  }
0x7c: {  	_ =	shalt  }
0x7d: {  	_ =	shalt  }
0x7e: {  	_ =	shalt  }
0x7f: {  	_ =	shalt  }
0x80: {  	_ =	shalt  }
0x81: {  	_ =	shalt  }
0x82: {  	_ =	shalt  }
0x83: {  	_ =	shalt  }
0x84: {  	_ =	shalt  }
0x85: {  	_ =	shalt  }
0x86: {  	_ =	shalt  }
0x87: {  	_ =	shalt  }
.Lfunc_end0:
.L_simem_size_0:
called_computation_lowered:
.L_overlay_start_0:
0x88: {  	s2 =	sld [smem:$0x3FD9]  }
0x89: {  	s3 =	sld [smem:$0x3FFE];
	_ =	sdelay $0x1  }
0x8a: {  	s1 =	srdreg.scid  }
0x8b: {  	s0 =	sand.u32 $0x1, s1  }
0x8c: {  	s16 =	sshll.u32 s0, $0xA;
	s2 =	sadd.s32 s3, s2  }
0x8d: {  	s2 =	sadd.s32 s2, s16  }
0x8e: {  	s3 =	simm.s32 $0x0;
	[smem:$0x3FC7] =	sst s2  }
0x8f: {  	[smem:$0xF] =	sst s3  }
0x90: {  	s4 =	sld [smem:$0x3FC9]  }
0x91: {  	s2 =	sld [smem:$0x3FD0];
	(tm) =	ssettm $0x1  }
0x92: {  	s5 =	sld [smem:$0x3FFB];
	_ =	sdelay $0x3  }
0x93: {  	_ =	strace s5  }
0x94: {  	s5 =	sld [smem:$0x3FFC];
	_ =	sdelay $0x3  }
0x95: {  	_ =	strace s5  }
0x96: {  	s5 =	sld [smem:$0x3FFD];
	_ =	sdelay $0x3  }
0x97: {  	_ =	strace s5  }
0x98: {  	s17 =	simm.s32 $0x1B8B;
	_ =	strace $0x8FFFFFFF  }
0x99: {  	_ =	swait.ge [sflag:s17], $0x1  }
0x9a: {  	s18 =	simm.s32 $0x1B8E;
	s10 =	smul.u32 $0x60000, s0;
	[sflag:s17] =	ssyncset.done $0x0  }
0x9b: {  	s7 =	simm.s32 $0x9;
	s6 =	simm.s32 $0xA;
	[sflag:s17] =	ssyncadd.s32 $0xFFFFFFFF  }
0x9c: {  	s9 =	sor.u32 $0x6000, s10;
	s19 =	sadd.s32 s10, s4;
	[smem:$0x3FD2] =	sst s18  }
0x9d: {  	s8 =	sadd.s32 s9, s4;
	s5 =	simm.s32 $0x6000;
	_ =	strace $0x80000046  }
0x9e: {  	[spmem:s3], [sflag:s7] =	dma.local [hbm:s19], $0x6000  }
0x9f: {  	[spmem:s5], [sflag:s6] =	dma.local [hbm:s8], $0x6000  }
0xa0: {  	_ =	swait.ge [sflag:s7], $0x6000  }
0xa1: {  	[sflag:s7] =	ssyncset.done $0x0  }
0xa2: {  	[sflag:s7] =	ssyncadd.s32 $0xFFFFA000  }
0xa3: {  	s11 =	sadd.s32 s10, s2;
	s8 =	simm.s32 $0xB  }
0xa4: {  	[hbm:s11], [sflag:s8] =	dma.local [spmem:s3], $0x6000  }
0xa5: {  	_ =	swait.ge [sflag:s8], $0x6000  }
0xa6: {  	[sflag:s8] =	ssyncset.done $0x0  }
0xa7: {  	s20 =	sor.u32 $0xC000, s10;
	[sflag:s8] =	ssyncadd.s32 $0xFFFFA000  }
0xa8: {  	s12 =	sadd.s32 s20, s4  }
0xa9: {  	[spmem:s3], [sflag:s7] =	dma.local [hbm:s12], $0x6000  }
0xaa: {  	_ =	swait.ge [sflag:s6], $0x6000  }
0xab: {  	[sflag:s6] =	ssyncset.done $0x0  }
0xac: {  	[sflag:s6] =	ssyncadd.s32 $0xFFFFA000  }
0xad: {  	s21 =	sadd.s32 s9, s2;
	s9 =	simm.s32 $0xC  }
0xae: {  	[hbm:s21], [sflag:s9] =	dma.local [spmem:s5], $0x6000  }
0xaf: {  	_ =	swait.ge [sflag:s9], $0x6000  }
0xb0: {  	[sflag:s9] =	ssyncset.done $0x0  }
0xb1: {  	s22 =	sor.u32 $0x12000, s10;
	[sflag:s9] =	ssyncadd.s32 $0xFFFFA000  }
0xb2: {  	s13 =	sadd.s32 s22, s4  }
0xb3: {  	[spmem:s5], [sflag:s6] =	dma.local [hbm:s13], $0x6000  }
0xb4: {  	_ =	swait.ge [sflag:s7], $0x6000  }
0xb5: {  	[sflag:s7] =	ssyncset.done $0x0  }
0xb6: {  	[sflag:s7] =	ssyncadd.s32 $0xFFFFA000  }
0xb7: {  	s11 =	sadd.s32 s20, s2  }
0xb8: {  	[hbm:s11], [sflag:s8] =	dma.local [spmem:s3], $0x6000  }
0xb9: {  	_ =	swait.ge [sflag:s8], $0x6000  }
0xba: {  	[sflag:s8] =	ssyncset.done $0x0  }
0xbb: {  	s23 =	sor.u32 $0x18000, s10;
	[sflag:s8] =	ssyncadd.s32 $0xFFFFA000  }
0xbc: {  	s24 =	sadd.s32 s23, s4  }
0xbd: {  	[spmem:s3], [sflag:s7] =	dma.local [hbm:s24], $0x6000  }
0xbe: {  	_ =	swait.ge [sflag:s6], $0x6000  }
0xbf: {  	[sflag:s6] =	ssyncset.done $0x0  }
0xc0: {  	[sflag:s6] =	ssyncadd.s32 $0xFFFFA000  }
0xc1: {  	s12 =	sadd.s32 s22, s2  }
0xc2: {  	[hbm:s12], [sflag:s9] =	dma.local [spmem:s5], $0x6000  }
0xc3: {  	_ =	swait.ge [sflag:s9], $0x6000  }
0xc4: {  	[sflag:s9] =	ssyncset.done $0x0  }
0xc5: {  	s25 =	sor.u32 $0x1E000, s10;
	[sflag:s9] =	ssyncadd.s32 $0xFFFFA000  }
0xc6: {  	s10 =	sadd.s32 s25, s4  }
0xc7: {  	[spmem:s5], [sflag:s6] =	dma.local [hbm:s10], $0x6000  }
0xc8: {  	_ =	swait.ge [sflag:s7], $0x6000  }
0xc9: {  	[sflag:s7] =	ssyncset.done $0x0  }
0xca: {  	[sflag:s7] =	ssyncadd.s32 $0xFFFFA000  }
0xcb: {  	s28 =	smul.u32 $0x300000, s0;
	s26 =	sadd.s32 s23, s2  }
0xcc: {  	[hbm:s26], [sflag:s8] =	dma.local [spmem:s3], $0x6000  }
0xcd: {  	_ =	swait.ge [sflag:s8], $0x6000  }
0xce: {  	s10 =	sshrl.u32 s28, $0x3;
	[sflag:s8] =	ssyncset.done $0x0  }
0xcf: {  	s11 =	sadd.s32 $0x24000, s10;
	[sflag:s8] =	ssyncadd.s32 $0xFFFFA000  }
0xd0: {  	s29 =	sadd.s32 s11, s4  }
0xd1: {  	[spmem:s3], [sflag:s7] =	dma.local [hbm:s29], $0x6000  }
0xd2: {  	_ =	swait.ge [sflag:s6], $0x6000  }
0xd3: {  	[sflag:s6] =	ssyncset.done $0x0  }
0xd4: {  	[sflag:s6] =	ssyncadd.s32 $0xFFFFA000  }
0xd5: {  	s12 =	sadd.s32 s25, s2  }
0xd6: {  	[hbm:s12], [sflag:s9] =	dma.local [spmem:s5], $0x6000  }
0xd7: {  	_ =	swait.ge [sflag:s9], $0x6000  }
0xd8: {  	[sflag:s9] =	ssyncset.done $0x0  }
0xd9: {  	s30 =	sadd.s32 $0x2A000, s10;
	[sflag:s9] =	ssyncadd.s32 $0xFFFFA000  }
0xda: {  	s31 =	sadd.s32 s30, s4  }
0xdb: {  	[spmem:s5], [sflag:s6] =	dma.local [hbm:s31], $0x6000  }
0xdc: {  	_ =	swait.ge [sflag:s7], $0x6000  }
0xdd: {  	[sflag:s7] =	ssyncset.done $0x0  }
0xde: {  	[sflag:s7] =	ssyncadd.s32 $0xFFFFA000  }
0xdf: {  	s11 =	sadd.s32 s11, s2  }
0xe0: {  	[hbm:s11], [sflag:s8] =	dma.local [spmem:s3], $0x6000  }
0xe1: {  	_ =	swait.ge [sflag:s8], $0x6000  }
0xe2: {  	[sflag:s8] =	ssyncset.done $0x0  }
0xe3: {  	s14 =	sadd.s32 $0x30000, s10;
	[sflag:s8] =	ssyncadd.s32 $0xFFFFA000  }
0xe4: {  	s15 =	sadd.s32 s14, s4  }
0xe5: {  	[spmem:s3], [sflag:s7] =	dma.local [hbm:s15], $0x6000  }
0xe6: {  	_ =	swait.ge [sflag:s6], $0x6000  }
0xe7: {  	[sflag:s6] =	ssyncset.done $0x0  }
0xe8: {  	[sflag:s6] =	ssyncadd.s32 $0xFFFFA000  }
0xe9: {  	s12 =	sadd.s32 s30, s2  }
0xea: {  	[hbm:s12], [sflag:s9] =	dma.local [spmem:s5], $0x6000  }
0xeb: {  	_ =	swait.ge [sflag:s9], $0x6000  }
0xec: {  	[sflag:s9] =	ssyncset.done $0x0  }
0xed: {  	s16 =	sadd.s32 $0x36000, s10;
	[sflag:s9] =	ssyncadd.s32 $0xFFFFA000  }
0xee: {  	s17 =	sadd.s32 s16, s4  }
0xef: {  	[spmem:s5], [sflag:s6] =	dma.local [hbm:s17], $0x6000  }
0xf0: {  	_ =	swait.ge [sflag:s7], $0x6000  }
0xf1: {  	[sflag:s7] =	ssyncset.done $0x0  }
0xf2: {  	[sflag:s7] =	ssyncadd.s32 $0xFFFFA000  }
0xf3: {  	s11 =	sadd.s32 s14, s2  }
0xf4: {  	[hbm:s11], [sflag:s8] =	dma.local [spmem:s3], $0x6000  }
0xf5: {  	_ =	swait.ge [sflag:s8], $0x6000  }
0xf6: {  	[sflag:s8] =	ssyncset.done $0x0  }
0xf7: {  	s18 =	sadd.s32 $0x3C000, s10;
	[sflag:s8] =	ssyncadd.s32 $0xFFFFA000  }
0xf8: {  	s19 =	sadd.s32 s18, s4  }
0xf9: {  	[spmem:s3], [sflag:s7] =	dma.local [hbm:s19], $0x6000  }
0xfa: {  	_ =	swait.ge [sflag:s6], $0x6000  }
0xfb: {  	[sflag:s6] =	ssyncset.done $0x0  }
0xfc: {  	[sflag:s6] =	ssyncadd.s32 $0xFFFFA000  }
0xfd: {  	s12 =	sadd.s32 s16, s2  }
0xfe: {  	[hbm:s12], [sflag:s9] =	dma.local [spmem:s5], $0x6000  }
0xff: {  	_ =	swait.ge [sflag:s9], $0x6000  }
0x100: {  	[sflag:s9] =	ssyncset.done $0x0  }
0x101: {  	s20 =	sadd.s32 $0x42000, s10;
	[sflag:s9] =	ssyncadd.s32 $0xFFFFA000  }
0x102: {  	s21 =	sadd.s32 s20, s4  }
0x103: {  	[spmem:s5], [sflag:s6] =	dma.local [hbm:s21], $0x6000  }
0x104: {  	_ =	swait.ge [sflag:s7], $0x6000  }
0x105: {  	[sflag:s7] =	ssyncset.done $0x0  }
0x106: {  	[sflag:s7] =	ssyncadd.s32 $0xFFFFA000  }
0x107: {  	s11 =	sadd.s32 s18, s2  }
0x108: {  	[hbm:s11], [sflag:s8] =	dma.local [spmem:s3], $0x6000  }
0x109: {  	_ =	swait.ge [sflag:s8], $0x6000  }
0x10a: {  	[sflag:s8] =	ssyncset.done $0x0  }
0x10b: {  	s22 =	sadd.s32 $0x48000, s10;
	[sflag:s8] =	ssyncadd.s32 $0xFFFFA000  }
0x10c: {  	s23 =	sadd.s32 s22, s4  }
0x10d: {  	[spmem:s3], [sflag:s7] =	dma.local [hbm:s23], $0x6000  }
0x10e: {  	_ =	swait.ge [sflag:s6], $0x6000  }
0x10f: {  	[sflag:s6] =	ssyncset.done $0x0  }
0x110: {  	[sflag:s6] =	ssyncadd.s32 $0xFFFFA000  }
0x111: {  	s12 =	sadd.s32 s20, s2  }
0x112: {  	[hbm:s12], [sflag:s9] =	dma.local [spmem:s5], $0x6000  }
0x113: {  	_ =	swait.ge [sflag:s9], $0x6000  }
0x114: {  	[sflag:s9] =	ssyncset.done $0x0  }
0x115: {  	s24 =	sadd.s32 $0x4E000, s10;
	[sflag:s9] =	ssyncadd.s32 $0xFFFFA000  }
0x116: {  	s25 =	sadd.s32 s24, s4  }
0x117: {  	[spmem:s5], [sflag:s6] =	dma.local [hbm:s25], $0x6000  }
0x118: {  	_ =	swait.ge [sflag:s7], $0x6000  }
0x119: {  	[sflag:s7] =	ssyncset.done $0x0  }
0x11a: {  	[sflag:s7] =	ssyncadd.s32 $0xFFFFA000  }
0x11b: {  	s11 =	sadd.s32 s22, s2  }
0x11c: {  	[hbm:s11], [sflag:s8] =	dma.local [spmem:s3], $0x6000  }
0x11d: {  	_ =	swait.ge [sflag:s8], $0x6000  }
0x11e: {  	[sflag:s8] =	ssyncset.done $0x0  }
0x11f: {  	s26 =	sadd.s32 $0x54000, s10;
	[sflag:s8] =	ssyncadd.s32 $0xFFFFA000  }
0x120: {  	s28 =	sadd.s32 s26, s4  }
0x121: {  	[spmem:s3], [sflag:s7] =	dma.local [hbm:s28], $0x6000  }
0x122: {  	_ =	swait.ge [sflag:s6], $0x6000  }
0x123: {  	[sflag:s6] =	ssyncset.done $0x0  }
0x124: {  	[sflag:s6] =	ssyncadd.s32 $0xFFFFA000  }
0x125: {  	s12 =	sadd.s32 s24, s2  }
0x126: {  	[hbm:s12], [sflag:s9] =	dma.local [spmem:s5], $0x6000  }
0x127: {  	_ =	swait.ge [sflag:s9], $0x6000  }
0x128: {  	[sflag:s9] =	ssyncset.done $0x0  }
0x129: {  	s10 =	sadd.s32 $0x5A000, s10;
	[sflag:s9] =	ssyncadd.s32 $0xFFFFA000  }
0x12a: {  	s4 =	sadd.s32 s10, s4  }
0x12b: {  	[spmem:s5], [sflag:s6] =	dma.local [hbm:s4], $0x6000  }
0x12c: {  	_ =	swait.ge [sflag:s7], $0x6000  }
0x12d: {  	[sflag:s7] =	ssyncset.done $0x0  }
0x12e: {  	[sflag:s7] =	ssyncadd.s32 $0xFFFFA000  }
0x12f: {  	s29 =	sadd.s32 s26, s2  }
0x130: {  	[hbm:s29], [sflag:s8] =	dma.local [spmem:s3], $0x6000  }
0x131: {  	_ =	swait.ge [sflag:s6], $0x6000  }
0x132: {  	[sflag:s6] =	ssyncset.done $0x0  }
0x133: {  	[sflag:s6] =	ssyncadd.s32 $0xFFFFA000  }
0x134: {  	s2 =	sadd.s32 s10, s2  }
0x135: {  	[hbm:s2], [sflag:s9] =	dma.local [spmem:s5], $0x6000  }
0x136: {  	_ =	swait.ge [sflag:s8], $0x6000  }
0x137: {  	[sflag:s8] =	ssyncset.done $0x0  }
0x138: {  	[sflag:s8] =	ssyncadd.s32 $0xFFFFA000;
	_ =	sdelay $0x2  }
0x139: {  	_ =	swait.ge [sflag:s9], $0x6000  }
0x13a: {  	[sflag:s9] =	ssyncset.done $0x0  }
0x13b: {  	[sflag:s9] =	ssyncadd.s32 $0xFFFFA000  }
0x13c: {  	_ =	strace $0x90000046  }
0x13d: {  	_ =	sfence  }
0x13e: {  	s30 =	sld [smem:$0x0];
	_ =	sdelay $0x2  }
0x13f: {  	s31 =	sshll.u32 s1, $0xD;
	s1 =	sshrl.u32 s1, $0x2  }
0x140: {  	s3 =	sand.u32 $0x4000, s31;
	s1 =	sadd.s32 s1, s30  }
0x141: {  	s0 =	sor.u32 s3, s0;
	s1 =	sshll.u32 s1, $0x11  }
0x142: {  	s0 =	sor.u32 s1, s0  }
0x143: {  	s0 =	sadd.s32 $0x8F2B, s0;
	(pc) =	sbr.abs _section_cstart, $3  }
0x144: {  	[sflag:s0] =	ssyncadd.remote.s32 $0x1  }
0x145: {  	_ =	strace $0x9FFFFFFF  }
0x146: {  	(tm) =	ssettm $0x7FFFFFFF  }
0x147: {  	_ =	shalt  }

</sc_bundles>
